<compile_context>
chip_gen: v7x
topology: tpu7x:2x2x1
jax: 0.10.2.dev20260603
libtpu: 0.0.44.dev20260713+nightly
codegen_flags: <defaults>
</compile_context>

<pallas_src>
import functools

import jax
import jax.numpy as jnp
from jax import lax
from jax.experimental import pallas as pl
from jax.experimental.pallas import tpu as pltpu
from jax.experimental.pallas import tpu_sc as plsc

N_TOK = 8192
N_EMB = 8192
D = 256
COMMIT = 0.25

BM = 1024
BN = 4096
LOSS_SCALE = (1.0 + COMMIT) / (N_TOK * D)


def _argmin_body(x_ref, e_ref, x2_ref, e2_ref, idx_ref, loss_ref, minv, argv):
    j = pl.program_id(1)
    nj = pl.num_programs(1)

    x = x_ref[...]
    e = e_ref[...]
    x2 = lax.transpose(jnp.reshape(x2_ref[...], (1, BM)), (1, 0))
    e2 = e2_ref[...]
    m2 = lax.dot_general(x, e, (((1,), (1,)), ((), ())),
                         preferred_element_type=jnp.float32)
    d = (x2 - m2) + e2

    bmin = jnp.min(d, axis=1, keepdims=True)
    ids = lax.broadcasted_iota(jnp.int32, (1, BN), 1).astype(jnp.float32)
    barg = jnp.min(jnp.where(d == bmin, ids, float(BN)),
                   axis=1, keepdims=True)
    gidx = j * BN + barg.astype(jnp.int32)

    @pl.when(j == 0)
    def _init():
        minv[...] = bmin
        argv[...] = gidx

    @pl.when(j > 0)
    def _update():
        better = bmin < minv[...]
        minv[...] = jnp.where(better, bmin, minv[...])
        argv[...] = jnp.where(better, gidx, argv[...])

    minv[...] = minv[...].astype(jnp.bfloat16).astype(jnp.float32)

    @pl.when(j == nj - 1)
    def _finalize():
        idx_ref[...] = jnp.reshape(
            lax.transpose(argv[...], (1, 0)), (1, 1, BM))
        contrib = jnp.sum(minv[...]) * LOSS_SCALE

        @pl.when(pl.program_id(0) == 0)
        def _first():
            loss_ref[0, 0] = contrib

        @pl.when(pl.program_id(0) > 0)
        def _acc():
            loss_ref[0, 0] += contrib


def _argmin_loss(x, e, x2, e2):
    grid = (N_TOK // BM, N_EMB // BN)
    return pl.pallas_call(
        _argmin_body,
        grid=grid,
        in_specs=[
            pl.BlockSpec((BM, D), lambda i, j: (i, 0)),
            pl.BlockSpec((BN, D), lambda i, j: (j, 0)),
            pl.BlockSpec((1, 1, BM), lambda i, j: (i, 0, 0)),
            pl.BlockSpec((1, BN), lambda i, j: (0, j)),
        ],
        out_specs=[
            pl.BlockSpec((1, 1, BM), lambda i, j: (i, 0, 0)),
            pl.BlockSpec(memory_space=pltpu.SMEM),
        ],
        out_shape=[
            jax.ShapeDtypeStruct((N_TOK // BM, 1, BM), jnp.int32),
            jax.ShapeDtypeStruct((1, 1), jnp.float32),
        ],
        scratch_shapes=[
            pltpu.VMEM((BM, 1), jnp.float32),
            pltpu.VMEM((BM, 1), jnp.int32),
        ],
        compiler_params=pltpu.CompilerParams(
            dimension_semantics=("arbitrary", "arbitrary"),
        ),
    )(x, e, x2, e2)



_NC = 2
_NS = 16
_NW = _NC * _NS
_BPW = N_TOK // _NW
_CHUNK = 128
_NCH = _BPW // _CHUNK


def _sc_gather(table, idx3):
    mesh = plsc.VectorSubcoreMesh(core_axis_name="c", subcore_axis_name="s")

    @functools.partial(
        pl.kernel,
        mesh=mesh,
        out_type=jax.ShapeDtypeStruct((N_TOK, D), jnp.float32),
        scratch_types=[
            pltpu.VMEM((_NCH, _CHUNK), jnp.int32),
            pltpu.VMEM((_BPW, D), jnp.float32),
            pltpu.SemaphoreType.DMA,
        ],
    )
    def k(table_hbm, idx_hbm, out_hbm, idx_v, rows_v, sem):
        wid = lax.axis_index("s") * _NC + lax.axis_index("c")
        base = wid * _BPW
        pltpu.sync_copy(idx_hbm.at[wid], idx_v)
        copies = [
            pltpu.async_copy(
                table_hbm.at[idx_v.at[c]],
                rows_v.at[pl.ds(c * _CHUNK, _CHUNK)],
                sem,
            )
            for c in range(_NCH)
        ]
        for cp in copies:
            cp.wait()
        pltpu.sync_copy(rows_v, out_hbm.at[pl.ds(base, _BPW)])

    return k(table, idx3)


def kernel(inputs, embedding):
    x_bf = (2.0 * jnp.reshape(inputs, (N_TOK, D))).astype(jnp.bfloat16)
    e_bf = embedding.astype(jnp.bfloat16)
    x2 = jnp.reshape(jnp.sum(inputs ** 2, axis=2), (N_TOK // BM, 1, BM))
    e2 = jnp.reshape(jnp.sum(embedding ** 2, axis=1), (1, N_EMB))
    idx2d, loss11 = _argmin_loss(x_bf, e_bf, x2, e2)
    idx = jnp.reshape(idx2d, (N_TOK,))
    idx3 = jnp.reshape(idx, (_NW, _NCH, _CHUNK))
    table = lax.optimization_barrier(
        embedding.astype(jnp.bfloat16)).astype(jnp.float32)
    quant = _sc_gather(table, idx3)
    quantized = jnp.reshape(quant, inputs.shape)
    vq_loss = loss11[0, 0]
    return quantized, vq_loss, idx

# --- scband reference (transcript-rebuilt; emitter-appended) ---
"""Pipeline reference for scband-vector-quantizer-38920993636499 (READ-ONLY COPY).

The authoritative reference and input builder live on the scoring server;
editing this copy changes nothing except your own understanding.
"""

import jax, jax.numpy as jnp
import numpy as np

NUM_EMBEDDINGS = 8192
EMBEDDING_DIM = 256
COMMITMENT_COST = 0.25
STRAIGHT_THROUGH = True


def setup_inputs(seed: int = 0) -> dict:
    key = jax.random.key(seed)
    k_in, k_emb = jax.random.split(key)
    inputs = jax.random.normal(k_in, (8, 1024, EMBEDDING_DIM), dtype=jnp.float32)
    emb_init = jax.nn.initializers.variance_scaling(scale=1.0, mode='fan_in', distribution='uniform')
    embedding = emb_init(k_emb, (NUM_EMBEDDINGS, EMBEDDING_DIM), jnp.float32)
    return {"inputs": inputs, "embedding": embedding}


def reference(inputs, embedding):
    input_shape = inputs.shape
    flat_inputs = jnp.reshape(inputs, (-1, EMBEDDING_DIM))
    distances = (
        jnp.sum(flat_inputs ** 2, axis=1, keepdims=True)
        - 2 * jnp.matmul(flat_inputs, embedding.T)
        + jnp.sum(embedding ** 2, axis=1, keepdims=True).T
    )
    encoding_indices = jnp.argmin(distances, axis=1)
    encodings = jax.nn.one_hot(encoding_indices, NUM_EMBEDDINGS, dtype=flat_inputs.dtype)
    quantized = jnp.matmul(encodings, embedding)
    quantized = jnp.reshape(quantized, input_shape)
    if STRAIGHT_THROUGH:
        quantized = inputs + jax.lax.stop_gradient(quantized - inputs)
    else:
        quantized = jax.lax.stop_gradient(quantized)
    e_latent_loss = jnp.mean((jax.lax.stop_gradient(quantized) - inputs) ** 2)
    q_latent_loss = jnp.mean((quantized - jax.lax.stop_gradient(inputs)) ** 2)
    vq_loss = q_latent_loss + COMMITMENT_COST * e_latent_loss
    return (quantized, vq_loss, encoding_indices)

if __name__ == "__main__":
    import jax
    _d = setup_inputs()
    print(jax.jit(kernel)(*tuple(_d.values())))

</pallas_src>

<mosaic_0001>
#map = affine_map<(d0, d1) -> (0, 0)>
#map1 = affine_map<(d0, d1) -> (0, 0, 0)>
module attributes {stable_mosaic.version = 14 : i64} {
  func.func @k(%arg0: i32, %arg1: i32, %arg2: memref<8192x256xf32, #tpu.memory_space<hbm>>, %arg3: memref<32x2x128xi32, #tpu.memory_space<hbm>>, %arg4: memref<8192x256xf32, #tpu.memory_space<hbm>>, %arg5: memref<2x128xi32, #tpu.memory_space<vmem>>, %arg6: memref<256x256xf32, #tpu.memory_space<vmem>>, %arg7: memref<!tpu.dma_semaphore, #tpu.memory_space<semaphore_mem>>) attributes {dimension_semantics = [#tpu.dimension_semantics<core_parallel>, #tpu.dimension_semantics<subcore_parallel>], iteration_bounds = array<i64: 2, 16>, scalar_prefetch = 0 : i64, scratch_operands = 3 : i64, tpu.core_type = #tpu.core_type<sc_vector_subcore>, window_params = [{transform_indices = #map}, {transform_indices = #map1}, {transform_indices = #map}]} {
    %mul3A = arith.constant 2 : i32
    %mul3A_0 = arith.muli %arg1, %mul3A : i32
    %add3A = arith.addi %mul3A_0, %arg0 : i32
    %mul3A_1 = arith.constant 256 : i32
    %mul3A_2 = arith.muli %add3A, %mul3A_1 : i32
    "tpu.region"() ({
      %run_scoped3A = tpu.sem_alloc : memref<!tpu.dma_semaphore, #tpu.memory_space<semaphore_mem>>
      %dma_start3A_41 = arith.constant 0 : i32
      %dma_start3A_42 = arith.constant 0 : i32
      %dma_start3A_43 = tpu.memref_slice %arg3[%add3A, %dma_start3A_41, %dma_start3A_42] : memref<32x2x128xi32, #tpu.memory_space<hbm>> -> memref<1x2x128xi32, #tpu.memory_space<hbm>>
      %dma_start3A_44 = tpu.memref_squeeze %dma_start3A_43 : memref<1x2x128xi32, #tpu.memory_space<hbm>> -> memref<2x128xi32, #tpu.memory_space<hbm>>
      %dma_start3A_45 = arith.constant 0 : i32
      %dma_start3A_46 = arith.constant 0 : i32
      %dma_start3A_47 = tpu.memref_slice %arg3[%add3A, %dma_start3A_45, %dma_start3A_46] : memref<32x2x128xi32, #tpu.memory_space<hbm>> -> memref<1x2x128xi32, #tpu.memory_space<hbm>>
      %dma_start3A_48 = tpu.memref_squeeze %dma_start3A_47 : memref<1x2x128xi32, #tpu.memory_space<hbm>> -> memref<2x128xi32, #tpu.memory_space<hbm>>
      tpu.enqueue_dma source(%dma_start3A_48 : memref<2x128xi32, #tpu.memory_space<hbm>>) target(%arg5 : memref<2x128xi32, #tpu.memory_space<vmem>>) target_semaphore(%run_scoped3A : memref<!tpu.dma_semaphore, #tpu.memory_space<semaphore_mem>>)
      %dma_wait3A_49 = arith.constant 0 : i32
      %dma_wait3A_50 = arith.constant 0 : i32
      %dma_wait3A_51 = tpu.memref_slice %arg3[%add3A, %dma_wait3A_49, %dma_wait3A_50] : memref<32x2x128xi32, #tpu.memory_space<hbm>> -> memref<1x2x128xi32, #tpu.memory_space<hbm>>
      %dma_wait3A_52 = tpu.memref_squeeze %dma_wait3A_51 : memref<1x2x128xi32, #tpu.memory_space<hbm>> -> memref<2x128xi32, #tpu.memory_space<hbm>>
      %dma_wait3A_53 = arith.constant 0 : i32
      %dma_wait3A_54 = arith.constant 0 : i32
      %dma_wait3A_55 = tpu.memref_slice %arg3[%add3A, %dma_wait3A_53, %dma_wait3A_54] : memref<32x2x128xi32, #tpu.memory_space<hbm>> -> memref<1x2x128xi32, #tpu.memory_space<hbm>>
      %dma_wait3A_56 = tpu.memref_squeeze %dma_wait3A_55 : memref<1x2x128xi32, #tpu.memory_space<hbm>> -> memref<2x128xi32, #tpu.memory_space<hbm>>
      tpu.wait_dma2 semaphore(%run_scoped3A : memref<!tpu.dma_semaphore, #tpu.memory_space<semaphore_mem>>) src(%dma_wait3A_56 : memref<2x128xi32, #tpu.memory_space<hbm>>) dst(%arg5 : memref<2x128xi32, #tpu.memory_space<vmem>>)
      tpu.yield
    }) : () -> ()
    %dma_start3A = arith.constant 0 : i32
    %dma_start3A_3 = arith.constant 0 : i32
    %dma_start3A_4 = arith.constant 0 : i32
    %dma_start3A_5 = tpu.memref_slice %arg6[%dma_start3A_3, %dma_start3A_4] : memref<256x256xf32, #tpu.memory_space<vmem>> -> memref<128x256xf32, #tpu.memory_space<vmem>>
    %dma_start3A_6 = arith.constant 0 : i32
    %dma_start3A_7 = tpu.memref_slice %arg5[%dma_start3A, %dma_start3A_6] : memref<2x128xi32, #tpu.memory_space<vmem>> -> memref<1x128xi32, #tpu.memory_space<vmem>>
    %dma_start3A_8 = tpu.memref_squeeze %dma_start3A_7 : memref<1x128xi32, #tpu.memory_space<vmem>> -> memref<128xi32, #tpu.memory_space<vmem>>
    %dma_start3A_9 = arith.constant 0 : i32
    %dma_start3A_10 = arith.constant 0 : i32
    %dma_start3A_11 = tpu.memref_slice %arg2[%dma_start3A_9, %dma_start3A_10] : memref<8192x256xf32, #tpu.memory_space<hbm>> -> memref<8192x256xf32, #tpu.memory_space<hbm>>
    tpu.enqueue_indirect_dma source(%dma_start3A_11 : memref<8192x256xf32, #tpu.memory_space<hbm>>) target(%dma_start3A_5 : memref<128x256xf32, #tpu.memory_space<vmem>>) offsets(%dma_start3A_8 : memref<128xi32, #tpu.memory_space<vmem>>) semaphore(%arg7 : memref<!tpu.dma_semaphore, #tpu.memory_space<semaphore_mem>>)
    %dma_start3A_12 = arith.constant 1 : i32
    %dma_start3A_13 = arith.constant 128 : i32
    %dma_start3A_14 = arith.constant 0 : i32
    %dma_start3A_15 = tpu.memref_slice %arg6[%dma_start3A_13, %dma_start3A_14] : memref<256x256xf32, #tpu.memory_space<vmem>> -> memref<128x256xf32, #tpu.memory_space<vmem>>
    %dma_start3A_16 = arith.constant 0 : i32
    %dma_start3A_17 = tpu.memref_slice %arg5[%dma_start3A_12, %dma_start3A_16] : memref<2x128xi32, #tpu.memory_space<vmem>> -> memref<1x128xi32, #tpu.memory_space<vmem>>
    %dma_start3A_18 = tpu.memref_squeeze %dma_start3A_17 : memref<1x128xi32, #tpu.memory_space<vmem>> -> memref<128xi32, #tpu.memory_space<vmem>>
    %dma_start3A_19 = arith.constant 0 : i32
    %dma_start3A_20 = arith.constant 0 : i32
    %dma_start3A_21 = tpu.memref_slice %arg2[%dma_start3A_19, %dma_start3A_20] : memref<8192x256xf32, #tpu.memory_space<hbm>> -> memref<8192x256xf32, #tpu.memory_space<hbm>>
    tpu.enqueue_indirect_dma source(%dma_start3A_21 : memref<8192x256xf32, #tpu.memory_space<hbm>>) target(%dma_start3A_15 : memref<128x256xf32, #tpu.memory_space<vmem>>) offsets(%dma_start3A_18 : memref<128xi32, #tpu.memory_space<vmem>>) semaphore(%arg7 : memref<!tpu.dma_semaphore, #tpu.memory_space<semaphore_mem>>)
    %dma_wait3A = arith.constant 0 : i32
    %dma_wait3A_22 = arith.constant 0 : i32
    %dma_wait3A_23 = arith.constant 0 : i32
    %dma_wait3A_24 = tpu.memref_slice %arg6[%dma_wait3A_22, %dma_wait3A_23] : memref<256x256xf32, #tpu.memory_space<vmem>> -> memref<128x256xf32, #tpu.memory_space<vmem>>
    %dma_wait3A_25 = arith.constant 0 : i32
    %dma_wait3A_26 = tpu.memref_slice %arg5[%dma_wait3A, %dma_wait3A_25] : memref<2x128xi32, #tpu.memory_space<vmem>> -> memref<1x128xi32, #tpu.memory_space<vmem>>
    %dma_wait3A_27 = tpu.memref_squeeze %dma_wait3A_26 : memref<1x128xi32, #tpu.memory_space<vmem>> -> memref<128xi32, #tpu.memory_space<vmem>>
    %dma_wait3A_28 = arith.constant 0 : i32
    %dma_wait3A_29 = arith.constant 0 : i32
    %dma_wait3A_30 = tpu.memref_slice %arg2[%dma_wait3A_28, %dma_wait3A_29] : memref<8192x256xf32, #tpu.memory_space<hbm>> -> memref<8192x256xf32, #tpu.memory_space<hbm>>
    tpu.wait_indirect_dma semaphore(%arg7 : memref<!tpu.dma_semaphore, #tpu.memory_space<semaphore_mem>>) src(%dma_wait3A_30 : memref<8192x256xf32, #tpu.memory_space<hbm>>) dst(%dma_wait3A_24 : memref<128x256xf32, #tpu.memory_space<vmem>>)
    %dma_wait3A_31 = arith.constant 1 : i32
    %dma_wait3A_32 = arith.constant 128 : i32
    %dma_wait3A_33 = arith.constant 0 : i32
    %dma_wait3A_34 = tpu.memref_slice %arg6[%dma_wait3A_32, %dma_wait3A_33] : memref<256x256xf32, #tpu.memory_space<vmem>> -> memref<128x256xf32, #tpu.memory_space<vmem>>
    %dma_wait3A_35 = arith.constant 0 : i32
    %dma_wait3A_36 = tpu.memref_slice %arg5[%dma_wait3A_31, %dma_wait3A_35] : memref<2x128xi32, #tpu.memory_space<vmem>> -> memref<1x128xi32, #tpu.memory_space<vmem>>
    %dma_wait3A_37 = tpu.memref_squeeze %dma_wait3A_36 : memref<1x128xi32, #tpu.memory_space<vmem>> -> memref<128xi32, #tpu.memory_space<vmem>>
    %dma_wait3A_38 = arith.constant 0 : i32
    %dma_wait3A_39 = arith.constant 0 : i32
    %dma_wait3A_40 = tpu.memref_slice %arg2[%dma_wait3A_38, %dma_wait3A_39] : memref<8192x256xf32, #tpu.memory_space<hbm>> -> memref<8192x256xf32, #tpu.memory_space<hbm>>
    tpu.wait_indirect_dma semaphore(%arg7 : memref<!tpu.dma_semaphore, #tpu.memory_space<semaphore_mem>>) src(%dma_wait3A_40 : memref<8192x256xf32, #tpu.memory_space<hbm>>) dst(%dma_wait3A_34 : memref<128x256xf32, #tpu.memory_space<vmem>>)
    "tpu.region"() ({
      %run_scoped3A = tpu.sem_alloc : memref<!tpu.dma_semaphore, #tpu.memory_space<semaphore_mem>>
      %dma_start3A_41 = arith.constant 0 : i32
      %dma_start3A_42 = tpu.memref_slice %arg4[%mul3A_2, %dma_start3A_41] : memref<8192x256xf32, #tpu.memory_space<hbm>> -> memref<256x256xf32, #tpu.memory_space<hbm>>
      %dma_start3A_43 = arith.constant 0 : i32
      %dma_start3A_44 = tpu.memref_slice %arg4[%mul3A_2, %dma_start3A_43] : memref<8192x256xf32, #tpu.memory_space<hbm>> -> memref<256x256xf32, #tpu.memory_space<hbm>>
      tpu.enqueue_dma source(%arg6 : memref<256x256xf32, #tpu.memory_space<vmem>>) target(%dma_start3A_44 : memref<256x256xf32, #tpu.memory_space<hbm>>) target_semaphore(%run_scoped3A : memref<!tpu.dma_semaphore, #tpu.memory_space<semaphore_mem>>)
      %dma_wait3A_45 = arith.constant 0 : i32
      %dma_wait3A_46 = tpu.memref_slice %arg4[%mul3A_2, %dma_wait3A_45] : memref<8192x256xf32, #tpu.memory_space<hbm>> -> memref<256x256xf32, #tpu.memory_space<hbm>>
      %dma_wait3A_47 = arith.constant 0 : i32
      %dma_wait3A_48 = tpu.memref_slice %arg4[%mul3A_2, %dma_wait3A_47] : memref<8192x256xf32, #tpu.memory_space<hbm>> -> memref<256x256xf32, #tpu.memory_space<hbm>>
      tpu.wait_dma2 semaphore(%run_scoped3A : memref<!tpu.dma_semaphore, #tpu.memory_space<semaphore_mem>>) src(%arg6 : memref<256x256xf32, #tpu.memory_space<vmem>>) dst(%dma_wait3A_48 : memref<256x256xf32, #tpu.memory_space<hbm>>)
      tpu.yield
    }) : () -> ()
    return
  }
}

module attributes {stable_mosaic.version = 14 : i64} {
  func.func @_argmin_body(%arg0: i32, %arg1: i32, %arg2: memref<1024x256xbf16, #tpu.memory_space<vmem>>, %arg3: memref<4096x256xbf16, #tpu.memory_space<vmem>>, %arg4: memref<1x1x1024xf32, #tpu.memory_space<vmem>>, %arg5: memref<1x4096xf32, #tpu.memory_space<vmem>>, %arg6: memref<1x1x1024xi32, #tpu.memory_space<vmem>>, %arg7: memref<1x1xf32, #tpu.memory_space<smem>>, %arg8: memref<1024x1xf32, #tpu.memory_space<vmem>>, %arg9: memref<1024x1xi32, #tpu.memory_space<vmem>>) attributes {dimension_semantics = [#tpu.dimension_semantics<arbitrary>, #tpu.dimension_semantics<arbitrary>], iteration_bounds = array<i64: 8, 2>, scalar_prefetch = 0 : i64, scratch_operands = 2 : i64, tpu.core_type = #tpu.core_type<tc>, window_params = [{transform_indices = @transform_0, window_bounds = array<i64: 1024, 256>}, {transform_indices = @transform_1, window_bounds = array<i64: 4096, 256>}, {transform_indices = @transform_2, window_bounds = array<i64: 1, 1, 1024>}, {transform_indices = @transform_3, window_bounds = array<i64: 1, 4096>}, {transform_indices = @transform_4, window_bounds = array<i64: 1, 1, 1024>}, {transform_indices = @transform_5, window_bounds = array<i64: 1, 1>}]} {
    %get3A = arith.constant 0 : index
    %get3A_0 = arith.constant 0 : index
    %get3A_1 = vector.load %arg2[%get3A, %get3A_0] : memref<1024x256xbf16, #tpu.memory_space<vmem>>, vector<1024x256xbf16>
    %get3A_2 = arith.constant 0 : index
    %get3A_3 = arith.constant 0 : index
    %get3A_4 = vector.load %arg3[%get3A_2, %get3A_3] : memref<4096x256xbf16, #tpu.memory_space<vmem>>, vector<4096x256xbf16>
    %get3A_5 = arith.constant 0 : index
    %get3A_6 = arith.constant 0 : index
    %get3A_7 = arith.constant 0 : index
    %get3A_8 = vector.load %arg4[%get3A_5, %get3A_6, %get3A_7] : memref<1x1x1024xf32, #tpu.memory_space<vmem>>, vector<1x1x1024xf32>
    %reshape3A = vector.shape_cast %get3A_8 : vector<1x1x1024xf32> to vector<1x1024xf32>
    %transpose3A = tpu.transpose %reshape3A, [1, 0] : vector<1x1024xf32> -> vector<1024x1xf32>
    %get3A_9 = arith.constant 0 : index
    %get3A_10 = arith.constant 0 : index
    %get3A_11 = vector.load %arg5[%get3A_9, %get3A_10] : memref<1x4096xf32, #tpu.memory_space<vmem>>, vector<1x4096xf32>
    %dot_general3A = arith.constant dense<0.000000e+00> : vector<1024x4096xf32>
    %dot_general3A_12 = tpu.matmul %get3A_1, %get3A_4, %dot_general3A {dimension_numbers = #tpu.dot_dimension_numbers<[1], [1], [0], [0], [0, 0, 1, 0], [], []>, transpose_lhs_hint = false} : vector<1024x256xbf16>, vector<4096x256xbf16>, vector<1024x4096xf32> -> vector<1024x4096xf32>
    %sub3A = vector.broadcast %transpose3A : vector<1024x1xf32> to vector<1024x4096xf32>
    %sub3A_13 = arith.subf %sub3A, %dot_general3A_12 : vector<1024x4096xf32>
    %add3A = vector.broadcast %get3A_11 : vector<1x4096xf32> to vector<1024x4096xf32>
    %add3A_14 = arith.addf %sub3A_13, %add3A : vector<1024x4096xf32>
    %reduce_min3A = arith.constant dense<0x7F800000> : vector<1024xf32>
    %reduce_min3A_15 = vector.multi_reduction <minimumf>, %add3A_14, %reduce_min3A [1] : vector<1024x4096xf32> to vector<1024xf32>
    %broadcast_in_dim3A = vector.shape_cast %reduce_min3A_15 : vector<1024xf32> to vector<1024x1xf32>
    %iota3A = tpu.iota {dimensions = array<i32: 1>} : vector<1x4096xi32>
    %convert_element_type3A = arith.sitofp %iota3A : vector<1x4096xi32> to vector<1x4096xf32>
    %eq3A = vector.broadcast %broadcast_in_dim3A : vector<1024x1xf32> to vector<1024x4096xf32>
    %eq3A_16 = arith.cmpf oeq, %add3A_14, %eq3A : vector<1024x4096xf32>
    %jit3A = arith.constant 4.096000e+03 : f32
    %broadcast_in_dim3A_17 = vector.shape_cast %convert_element_type3A : vector<1x4096xf32> to vector<1x4096xf32>
    %broadcast_in_dim3A_18 = vector.broadcast %broadcast_in_dim3A_17 : vector<1x4096xf32> to vector<1024x4096xf32>
    %broadcast_in_dim3A_19 = vector.broadcast %jit3A : f32 to vector<1024x4096xf32>
    %select_n3A = arith.select %eq3A_16, %broadcast_in_dim3A_18, %broadcast_in_dim3A_19 : vector<1024x4096xi1>, vector<1024x4096xf32>
    %reduce_min3A_20 = arith.constant dense<0x7F800000> : vector<1024xf32>
    %reduce_min3A_21 = vector.multi_reduction <minimumf>, %select_n3A, %reduce_min3A_20 [1] : vector<1024x4096xf32> to vector<1024xf32>
    %broadcast_in_dim3A_22 = vector.shape_cast %reduce_min3A_21 : vector<1024xf32> to vector<1024x1xf32>
    %mul3A = arith.constant 4096 : i32
    %mul3A_23 = arith.muli %arg1, %mul3A : i32
    %convert_element_type3A_24 = arith.fptosi %broadcast_in_dim3A_22 : vector<1024x1xf32> to vector<1024x1xi32>
    %add3A_25 = vector.broadcast %mul3A_23 : i32 to vector<1024x1xi32>
    %add3A_26 = arith.addi %add3A_25, %convert_element_type3A_24 : vector<1024x1xi32>
    %eq3A_27 = arith.constant 0 : i32
    %eq3A_28 = arith.cmpi eq, %arg1, %eq3A_27 : i32
    %convert_element_type3A_29 = arith.extui %eq3A_28 : i1 to i32
    %cond3A = arith.constant 0 : i32
    %cond3A_30 = arith.cmpi ne, %convert_element_type3A_29, %cond3A : i32
    scf.if %cond3A_30 {
      %swap3A_47 = arith.constant 0 : index
      %swap3A_48 = arith.constant 0 : index
      %swap3A_49 = vector.load %arg8[%swap3A_47, %swap3A_48] : memref<1024x1xf32, #tpu.memory_space<vmem>>, vector<1024x1xf32>
      tpu.vector_store %arg8[%swap3A_47, %swap3A_48], %broadcast_in_dim3A {strides = array<i32>} : memref<1024x1xf32, #tpu.memory_space<vmem>>, vector<1024x1xf32>,
      %swap3A_50 = arith.constant 0 : index
      %swap3A_51 = arith.constant 0 : index
      %swap3A_52 = vector.load %arg9[%swap3A_50, %swap3A_51] : memref<1024x1xi32, #tpu.memory_space<vmem>>, vector<1024x1xi32>
      tpu.vector_store %arg9[%swap3A_50, %swap3A_51], %add3A_26 {strides = array<i32>} : memref<1024x1xi32, #tpu.memory_space<vmem>>, vector<1024x1xi32>,
    } else {
    }
    %gt3A = arith.constant 0 : i32
    %gt3A_31 = arith.cmpi sgt, %arg1, %gt3A : i32
    %convert_element_type3A_32 = arith.extui %gt3A_31 : i1 to i32
    %cond3A_33 = arith.constant 0 : i32
    %cond3A_34 = arith.cmpi ne, %convert_element_type3A_32, %cond3A_33 : i32
    scf.if %cond3A_34 {
      %get3A_47 = arith.constant 0 : index
      %get3A_48 = arith.constant 0 : index
      %get3A_49 = vector.load %arg8[%get3A_47, %get3A_48] : memref<1024x1xf32, #tpu.memory_space<vmem>>, vector<1024x1xf32>
      %lt3A = arith.cmpf olt, %broadcast_in_dim3A, %get3A_49 : vector<1024x1xf32>
      %get3A_50 = arith.constant 0 : index
      %get3A_51 = arith.constant 0 : index
      %get3A_52 = vector.load %arg8[%get3A_50, %get3A_51] : memref<1024x1xf32, #tpu.memory_space<vmem>>, vector<1024x1xf32>
      %select_n3A_53 = arith.select %lt3A, %broadcast_in_dim3A, %get3A_52 : vector<1024x1xi1>, vector<1024x1xf32>
      %swap3A_54 = arith.constant 0 : index
      %swap3A_55 = arith.constant 0 : index
      %swap3A_56 = vector.load %arg8[%swap3A_54, %swap3A_55] : memref<1024x1xf32, #tpu.memory_space<vmem>>, vector<1024x1xf32>
      tpu.vector_store %arg8[%swap3A_54, %swap3A_55], %select_n3A_53 {strides = array<i32>} : memref<1024x1xf32, #tpu.memory_space<vmem>>, vector<1024x1xf32>,
      %get3A_57 = arith.constant 0 : index
      %get3A_58 = arith.constant 0 : index
      %get3A_59 = vector.load %arg9[%get3A_57, %get3A_58] : memref<1024x1xi32, #tpu.memory_space<vmem>>, vector<1024x1xi32>
      %select_n3A_60 = arith.select %lt3A, %add3A_26, %get3A_59 : vector<1024x1xi1>, vector<1024x1xi32>
      %swap3A_61 = arith.constant 0 : index
      %swap3A_62 = arith.constant 0 : index
      %swap3A_63 = vector.load %arg9[%swap3A_61, %swap3A_62] : memref<1024x1xi32, #tpu.memory_space<vmem>>, vector<1024x1xi32>
      tpu.vector_store %arg9[%swap3A_61, %swap3A_62], %select_n3A_60 {strides = array<i32>} : memref<1024x1xi32, #tpu.memory_space<vmem>>, vector<1024x1xi32>,
    } else {
    }
    %get3A_35 = arith.constant 0 : index
    %get3A_36 = arith.constant 0 : index
    %get3A_37 = vector.load %arg8[%get3A_35, %get3A_36] : memref<1024x1xf32, #tpu.memory_space<vmem>>, vector<1024x1xf32>
    %convert_element_type3A_38 = arith.truncf %get3A_37 : vector<1024x1xf32> to vector<1024x1xbf16>
    %convert_element_type3A_39 = arith.extf %convert_element_type3A_38 : vector<1024x1xbf16> to vector<1024x1xf32>
    %swap3A = arith.constant 0 : index
    %swap3A_40 = arith.constant 0 : index
    %swap3A_41 = vector.load %arg8[%swap3A, %swap3A_40] : memref<1024x1xf32, #tpu.memory_space<vmem>>, vector<1024x1xf32>
    tpu.vector_store %arg8[%swap3A, %swap3A_40], %convert_element_type3A_39 {strides = array<i32>} : memref<1024x1xf32, #tpu.memory_space<vmem>>, vector<1024x1xf32>,
    %eq3A_42 = arith.constant 1 : i32
    %eq3A_43 = arith.cmpi eq, %arg1, %eq3A_42 : i32
    %convert_element_type3A_44 = arith.extui %eq3A_43 : i1 to i32
    %cond3A_45 = arith.constant 0 : i32
    %cond3A_46 = arith.cmpi ne, %convert_element_type3A_44, %cond3A_45 : i32
    scf.if %cond3A_46 {
      %get3A_47 = arith.constant 0 : index
      %get3A_48 = arith.constant 0 : index
      %get3A_49 = vector.load %arg9[%get3A_47, %get3A_48] : memref<1024x1xi32, #tpu.memory_space<vmem>>, vector<1024x1xi32>
      %transpose3A_50 = tpu.transpose %get3A_49, [1, 0] : vector<1024x1xi32> -> vector<1x1024xi32>
      %reshape3A_51 = vector.shape_cast %transpose3A_50 : vector<1x1024xi32> to vector<1x1x1024xi32>
      %swap3A_52 = arith.constant 0 : index
      %swap3A_53 = arith.constant 0 : index
      %swap3A_54 = arith.constant 0 : index
      %swap3A_55 = vector.load %arg6[%swap3A_52, %swap3A_53, %swap3A_54] : memref<1x1x1024xi32, #tpu.memory_space<vmem>>, vector<1x1x1024xi32>
      tpu.vector_store %arg6[%swap3A_52, %swap3A_53, %swap3A_54], %reshape3A_51 {strides = array<i32>} : memref<1x1x1024xi32, #tpu.memory_space<vmem>>, vector<1x1x1024xi32>,
      %get3A_56 = arith.constant 0 : index
      %get3A_57 = arith.constant 0 : index
      %get3A_58 = vector.load %arg8[%get3A_56, %get3A_57] : memref<1024x1xf32, #tpu.memory_space<vmem>>, vector<1024x1xf32>
      %reduce_sum3A = vector.shape_cast %get3A_58 : vector<1024x1xf32> to vector<1x1024x1xf32>
      %reduce_sum3A_59 = arith.constant dense<0.000000e+00> : vector<1xf32>
      %reduce_sum3A_60 = vector.multi_reduction <add>, %reduce_sum3A, %reduce_sum3A_59 [1, 2] : vector<1x1024x1xf32> to vector<1xf32>
      %reduce_sum3A_61 = vector.shape_cast %reduce_sum3A_60 : vector<1xf32> to vector<1x1x1xf32>
      %reduce_sum3A_62 = vector.extract %reduce_sum3A_61[0, 0, 0] : f32 from vector<1x1x1xf32>
      %mul3A_63 = arith.constant 5.96046448E-7 : f32
      %mul3A_64 = arith.mulf %reduce_sum3A_62, %mul3A_63 : f32
      %eq3A_65 = arith.constant 0 : i32
      %eq3A_66 = arith.cmpi eq, %arg0, %eq3A_65 : i32
      %convert_element_type3A_67 = arith.extui %eq3A_66 : i1 to i32
      %cond3A_68 = arith.constant 0 : i32
      %cond3A_69 = arith.cmpi ne, %convert_element_type3A_67, %cond3A_68 : i32
      scf.if %cond3A_69 {
        %swap3A_75 = arith.constant 0 : index
        %swap3A_76 = arith.constant 0 : index
        %swap3A_77 = memref.load %arg7[%swap3A_75, %swap3A_76] : memref<1x1xf32, #tpu.memory_space<smem>>
        memref.store %mul3A_64, %arg7[%swap3A_75, %swap3A_76] : memref<1x1xf32, #tpu.memory_space<smem>>
      } else {
      }
      %gt3A_70 = arith.constant 0 : i32
      %gt3A_71 = arith.cmpi sgt, %arg0, %gt3A_70 : i32
      %convert_element_type3A_72 = arith.extui %gt3A_71 : i1 to i32
      %cond3A_73 = arith.constant 0 : i32
      %cond3A_74 = arith.cmpi ne, %convert_element_type3A_72, %cond3A_73 : i32
      scf.if %cond3A_74 {
        %get3A_75 = arith.constant 0 : index
        %get3A_76 = arith.constant 0 : index
        %get3A_77 = memref.load %arg7[%get3A_75, %get3A_76] : memref<1x1xf32, #tpu.memory_space<smem>>
        %add3A_78 = arith.addf %get3A_77, %mul3A_64 : f32
        %swap3A_79 = arith.constant 0 : index
        %swap3A_80 = arith.constant 0 : index
        %swap3A_81 = memref.load %arg7[%swap3A_79, %swap3A_80] : memref<1x1xf32, #tpu.memory_space<smem>>
        memref.store %add3A_78, %arg7[%swap3A_79, %swap3A_80] : memref<1x1xf32, #tpu.memory_space<smem>>
      } else {
      }
    } else {
    }
    return
  }
  func.func @transform_0(%arg0: i32, %arg1: i32) -> (i32, i32) {
    %c0_i32 = arith.constant 0 : i32
    %c0_i32_0 = arith.constant 0 : i32
    return %arg0, %c0_i32 : i32, i32
  }
  func.func @transform_1(%arg0: i32, %arg1: i32) -> (i32, i32) {
    %c0_i32 = arith.constant 0 : i32
    %c0_i32_0 = arith.constant 0 : i32
    return %arg1, %c0_i32 : i32, i32
  }
  func.func @transform_2(%arg0: i32, %arg1: i32) -> (i32, i32, i32) {
    %c0_i32 = arith.constant 0 : i32
    %c0_i32_0 = arith.constant 0 : i32
    %c0_i32_1 = arith.constant 0 : i32
    return %arg0, %c0_i32, %c0_i32_0 : i32, i32, i32
  }
  func.func @transform_3(%arg0: i32, %arg1: i32) -> (i32, i32) {
    %c0_i32 = arith.constant 0 : i32
    %c0_i32_0 = arith.constant 0 : i32
    return %c0_i32, %arg1 : i32, i32
  }
  func.func @transform_4(%arg0: i32, %arg1: i32) -> (i32, i32, i32) {
    %c0_i32 = arith.constant 0 : i32
    %c0_i32_0 = arith.constant 0 : i32
    %c0_i32_1 = arith.constant 0 : i32
    return %arg0, %c0_i32, %c0_i32_0 : i32, i32, i32
  }
  func.func @transform_5(%arg0: i32, %arg1: i32) -> (i32, i32) {
    %c0_i32 = arith.constant 0 : i32
    %c0_i32_0 = arith.constant 0 : i32
    %c0_i32_1 = arith.constant 0 : i32
    return %c0_i32, %c0_i32_0 : i32, i32
  }
}

</mosaic_0001>

<sc_bundles>
// kernel: kernel.4.cloned.1.call-start
scs
__scs_entry_jumppad:
0x0: {  	(pc) =	sbr.rel $0x88, $3  }
0x1: {  	(tag) =	ssettag $0x0;
	lr =	simm.s32 $0x1  }
0x2: {  	[smem:$0x3F9F] =	sst lr;
	_ =	strace $0xD0000000  }
0x3: {  	_ = 	snop  }
0x4: {  	_ = 	snop  }
0x5: {  	_ = 	snop  }
0x6: {  	_ = 	snop  }
0x7: {  	_ = 	snop  }
__scs_overlays_trampoline_lowered:
0x8: {  	[smem:$0x3FAE] =	sst s0  }
0x9: {  	[smem:$0x3FAF] =	sst s1  }
0xa: {  	[smem:$0x3FB0] =	sst s2  }
0xb: {  	[smem:$0x3FB1] =	sst s3  }
0xc: {  	[smem:$0x3FB2] =	sst s4  }
0xd: {  	[smem:$0x3FB3] =	sst s5  }
0xe: {  	[smem:$0x3FB4] =	sst s6  }
0xf: {  	[smem:$0x3FB5] =	sst s7  }
0x10: {  	[smem:$0x3FB6] =	sst s8  }
0x11: {  	[smem:$0x3FB7] =	sst s9;
	s0 =	simm.s32 @!p0 $0x0  }
0x12: {  	s1 =	sld [smem:$0x3F9D];
	s0 =	simm.s32 @p0 $0x1  }
0x13: {  	[smem:$0x3FB8] =	sst s0;
	s0 =	simm.s32 @!p1 $0x0  }
0x14: {  	s2 =	sld [smem:$0x3F9C];
	s0 =	simm.s32 @p1 $0x1  }
0x15: {  	[smem:$0x3FB9] =	sst s0;
	s0 =	simm.s32 @!p2 $0x0  }
0x16: {  	s3 =	sld [smem:$0x3FDB];
	s0 =	simm.s32 @p2 $0x1  }
0x17: {  	s4 =	simm.s32 $0x1BF5;
	[smem:$0x3FBB] =	sst s0  }
0x18: {  	s0 =	sld [smem:$0x3F9E];
	_ =	swait.ge [sflag:s4], $0x0  }
0x19: {  	s7 =	sld [smem:$0x3F9F]  }
0x1a: {  	s8 =	sadd.s32 $0xFFFFE003, lr  }
0x1b: {  	s9 =	sadd.s32 $0xFFFFFEF7, lr;
	s5 =	simm.s32 $0xFFFFFFFF;
	p2 =	slt.u32 s8, $0xFFFFF086  }
0x1c: {  	p1 =	slt.u32 s9, $0xF7A;
	s5 =	simm.s32 @!p2 $0x0  }
0x1d: {  	s5 =	simm.s32 @p1 $0x1;
	p0 =	seq.s32 s7, s2  }
0x1e: {  	s7 =	smul.u32 @!p0 $0xF7A, s2;
	p2 =	seq.s32 @!p0 s5, $0x0  }
0x1f: {  	s9 =	smul.u32 $0xF7A, s1;
	s8 =	simm.s32 @!p0 $0x1BF5;
	p2 =	por !p2, p0  }
0x20: {  	[sflag:s8] =	ssyncset.s32 @!p0 $0xFFFFF086;
	s6 =	sadd.s32 @!p0 s3, s7;
	s7 =	simm.s32 @!p0 $0x108  }
0x21: {  	s3 =	sadd.s32 s3, s9;
	s6 =	sadd.s32 @!p0 $0x88, s6;
	s7 =	simm.s32 @p2 $0x1082  }
0x22: {  	[simem:s7], [sflag:s8] =	dma.local @!p0 [hbm:s6], $0xF7A  }
0x23: {  	s9 =	sor.u32 $0xD0000000, s2;
	s6 =	simm.s32 $0x108;
	_ =	swait.ge @!p0 [sflag:s8], $0x0  }
0x24: {  	s3 =	sadd.s32 $0x88, s3;
	s6 =	simm.s32 @!p1 $0x1082;
	[sflag:s4] =	ssyncset.s32 $0xFFFFF086  }
0x25: {  	[simem:s6], [sflag:s4] =	dma.local [hbm:s3], $0xF7A  }
0x26: {  	[smem:$0x3F9F] =	sst s1;
	(tag) =	ssettag s2;
	_ =	strace s9  }
0x27: {  	s1 =	sld [smem:$0x3FAF]  }
0x28: {  	s2 =	sld [smem:$0x3FB0]  }
0x29: {  	s4 =	sld [smem:$0x3FB2]  }
0x2a: {  	p0 =	seq.s32 s5, $0x0;
	s5 =	sld [smem:$0x3FB3]  }
0x2b: {  	s6 =	sld [smem:$0x3FB4]  }
0x2c: {  	s7 =	sld [smem:$0x3FB5]  }
0x2d: {  	s3 =	simm.s32 $0x108;
	s8 =	sld [smem:$0x3FB6]  }
0x2e: {  	s3 =	simm.s32 @!p0 $0x1082;
	s9 =	sld [smem:$0x3FB7]  }
0x2f: {  	lr =	sadd.s32 s0, s3;
	s0 =	sld [smem:$0x3FAE]  }
0x30: {  	s3 =	sld [smem:$0x3FB1]  }
0x31: {  	[smem:$0x3FBA] =	sst s10  }
0x32: {  	s10 =	sld [smem:$0x3FB8];
	_ =	sdelay $0x3  }
0x33: {  	p0 =	seq.s32 s10, $0x1;
	s10 =	sld [smem:$0x3FBA];
	_ =	sdelay $0x3  }
0x34: {  	[smem:$0x3FBA] =	sst s10  }
0x35: {  	s10 =	sld [smem:$0x3FB9];
	_ =	sdelay $0x3  }
0x36: {  	p1 =	seq.s32 s10, $0x1;
	s10 =	sld [smem:$0x3FBA];
	_ =	sdelay $0x3  }
0x37: {  	[smem:$0x3FBA] =	sst s10  }
0x38: {  	s10 =	sld [smem:$0x3FBB]  }
0x39: {  	_ = 	snop;
	(pc) =	sbr.ind lr, $3  }
0x3a: {  	_ = 	snop  }
0x3b: {  	_ = 	snop  }
0x3c: {  	p2 =	seq.s32 s10, $0x1;
	s10 =	sld [smem:$0x3FBA]  }
0x3d: {  	_ =	shalt  }
0x3e: {  	_ =	shalt  }
0x3f: {  	_ =	shalt  }
0x40: {  	_ =	shalt  }
0x41: {  	_ =	shalt  }
0x42: {  	_ =	shalt  }
0x43: {  	_ =	shalt  }
0x44: {  	_ =	shalt  }
0x45: {  	_ =	shalt  }
0x46: {  	_ =	shalt  }
0x47: {  	_ =	shalt  }
0x48: {  	_ =	shalt  }
0x49: {  	_ =	shalt  }
0x4a: {  	_ =	shalt  }
0x4b: {  	_ =	shalt  }
0x4c: {  	_ =	shalt  }
0x4d: {  	_ =	shalt  }
0x4e: {  	_ =	shalt  }
0x4f: {  	_ =	shalt  }
0x50: {  	_ =	shalt  }
0x51: {  	_ =	shalt  }
0x52: {  	_ =	shalt  }
0x53: {  	_ =	shalt  }
0x54: {  	_ =	shalt  }
0x55: {  	_ =	shalt  }
0x56: {  	_ =	shalt  }
0x57: {  	_ =	shalt  }
0x58: {  	_ =	shalt  }
0x59: {  	_ =	shalt  }
0x5a: {  	_ =	shalt  }
0x5b: {  	_ =	shalt  }
0x5c: {  	_ =	shalt  }
0x5d: {  	_ =	shalt  }
0x5e: {  	_ =	shalt  }
0x5f: {  	_ =	shalt  }
0x60: {  	_ =	shalt  }
0x61: {  	_ =	shalt  }
0x62: {  	_ =	shalt  }
0x63: {  	_ =	shalt  }
0x64: {  	_ =	shalt  }
0x65: {  	_ =	shalt  }
0x66: {  	_ =	shalt  }
0x67: {  	_ =	shalt  }
0x68: {  	_ =	shalt  }
0x69: {  	_ =	shalt  }
0x6a: {  	_ =	shalt  }
0x6b: {  	_ =	shalt  }
0x6c: {  	_ =	shalt  }
0x6d: {  	_ =	shalt  }
0x6e: {  	_ =	shalt  }
0x6f: {  	_ =	shalt  }
0x70: {  	_ =	shalt  }
0x71: {  	_ =	shalt  }
0x72: {  	_ =	shalt  }
0x73: {  	_ =	shalt  }
0x74: {  	_ =	shalt  }
0x75: {  	_ =	shalt  }
0x76: {  	_ =	shalt  }
0x77: {  	_ =	shalt  }
0x78: {  	_ =	shalt  }
0x79: {  	_ =	shalt  }
0x7a: {  	_ =	shalt  }
0x7b: {  	_ =	shalt  }
0x7c: {  	_ =	shalt  }
0x7d: {  	_ =	shalt  }
0x7e: {  	_ =	shalt  }
0x7f: {  	_ =	shalt  }
0x80: {  	_ =	shalt  }
0x81: {  	_ =	shalt  }
0x82: {  	_ =	shalt  }
0x83: {  	_ =	shalt  }
0x84: {  	_ =	shalt  }
0x85: {  	_ =	shalt  }
0x86: {  	_ =	shalt  }
0x87: {  	_ =	shalt  }
.Lfunc_end0:
.L_simem_size_0:
called_computation_lowered:
.L_overlay_start_0:
0x88: {  	s2 =	sld [smem:$0x3FD9]  }
0x89: {  	s3 =	sld [smem:$0x3FFE];
	_ =	sdelay $0x1  }
0x8a: {  	s1 =	srdreg.scid  }
0x8b: {  	s0 =	sand.u32 $0x1, s1  }
0x8c: {  	s14 =	sshll.u32 s0, $0xA;
	s2 =	sadd.s32 s3, s2  }
0x8d: {  	s2 =	sadd.s32 s2, s14  }
0x8e: {  	[smem:$0x3FC6] =	sst s2  }
0x8f: {  	_ = 	snop  }
0x90: {  	s2 =	sld [smem:$0x3FD0];
	_ =	sdelay $0x2  }
0x91: {  	s15 =	simm.s32 $0xA;
	s4 =	simm.s32 $0x10  }
0x92: {  	[smem:s4], [sflag:s15] =	dma.local [hbm:s2], $0x1  }
0x93: {  	_ =	swait.eq [sflag:s15], $0x1  }
0x94: {  	[sflag:s15] =	ssyncset.done $0x0  }
0x95: {  	s16 =	sld [smem:$0x10];
	[sflag:s15] =	ssyncadd.s32 $0xFFFFFFFF  }
0x96: {  	s17 =	sld [smem:$0x12];
	(tm) =	ssettm $0x1  }
0x97: {  	s18 =	sld [smem:$0x3FFB];
	_ =	sdelay $0x3  }
0x98: {  	_ =	strace s18  }
0x99: {  	s4 =	sld [smem:$0x3FFC];
	_ =	sdelay $0x3  }
0x9a: {  	_ =	strace s4  }
0x9b: {  	s4 =	sld [smem:$0x3FFD];
	_ =	sdelay $0x3  }
0x9c: {  	_ =	strace s4  }
0x9d: {  	_ =	strace $0x8FFFFFFF  }
0x9e: {  	s19 =	sld [smem:$0x3FDB];
	_ =	sdelay $0x1  }
0x9f: {  	s5 =	simm.s32 $_scs_section_size  }
0xa0: {  	s6 =	simm.s32 $_size__tile_overlayer_lowered;
	s7 =	simm.s32 $_tile_overlayer_lowered  }
0xa1: {  	s22 =	simm.s32 $0x1BFF;
	s21 =	sshll.u32 s7, $0x1;
	s4 =	sadd.s32 s5, s19  }
0xa2: {  	s8 =	simm.s32 $0x0;
	s20 =	sshll.u32 s6, $0x1;
	s6 =	sadd.s32 s21, s4  }
0xa3: {  	[timem:s8], [sflag:s22] =	dma.local [hbm:s6], s20  }
0xa4: {  	_ =	swait.ge [sflag:s22], s20  }
0xa5: {  	s5 =	ssub.s32 $0x0, s20;
	[sflag:s22] =	ssyncset.done $0x0  }
0xa6: {  	[sflag:s22] =	ssyncadd.s32 s5;
	_ =	sdelay $0x1  }
0xa7: {  	s23 =	simm.s32 $0x1B8B  }
0xa8: {  	_ =	swait.ge [sflag:s23], $0x1  }
0xa9: {  	[sflag:s23] =	ssyncset.done $0x0  }
0xaa: {  	s25 =	simm.s32 $0x1B8E;
	s24 =	sld [smem:$0x3FFE];
	[sflag:s23] =	ssyncadd.s32 $0xFFFFFFFF  }
0xab: {  	s26 =	simm.s32 $execute0_lowered;
	[smem:$0x3FD2] =	sst s25  }
0xac: {  	s6 =	sshll.u32 s26, $0x1;
	_ =	strace $0x80000046;
	[dreg:$0x1] =	wrdreg $0xFFFFFFFF  }
0xad: {  	s28 =	simm.s32 $_size_execute0_lowered;
	s4 =	sadd.s32 s4, s6;
	[dreg:$0x0] =	wrdreg $0x0  }
0xae: {  	s6 =	sshll.u32 s28, $0x1;
	[dreg:$0x2] =	wrdreg s4  }
0xaf: {  	[dreg:$0x3] =	wrdreg s6  }
0xb0: {  	[dreg:$0x4] =	wrdreg $0xC0  }
0xb1: {  	_ =	task [dreg:s8], $0x5FFFF  }
0xb2: {  	[dreg:$0x1] =	wrdreg $0xFFFFFFFF  }
0xb3: {  	[dreg:$0x0] =	wrdreg $0x60  }
0xb4: {  	[dreg:$0x2] =	wrdreg s24  }
0xb5: {  	[dreg:$0x3] =	wrdreg s17  }
0xb6: {  	[dreg:$0x4] =	wrdreg s16  }
0xb7: {  	[dreg:$0x5] =	wrdreg $0x9  }
0xb8: {  	_ =	task.clear_ibuf [dreg:s8], $0x6FFFF;
	_ =	strace $0x90000046  }
0xb9: {  	s29 =	simm.s32 $0x9;
	_ =	strace $0x80000048  }
0xba: {  	_ =	swait.ge [sflag:s29], $0x1  }
0xbb: {  	[sflag:s29] =	ssyncadd.s32 $0xFFFFFFFF  }
0xbc: {  	_ =	strace $0x90000048  }
0xbd: {  	_ =	sfence  }
0xbe: {  	s30 =	sld [smem:$0x0];
	_ =	sdelay $0x2  }
0xbf: {  	s31 =	sshll.u32 s1, $0xD;
	s1 =	sshrl.u32 s1, $0x2  }
0xc0: {  	s3 =	sand.u32 $0x4000, s31;
	s1 =	sadd.s32 s1, s30  }
0xc1: {  	s0 =	sor.u32 s3, s0;
	s1 =	sshll.u32 s1, $0x11  }
0xc2: {  	s0 =	sor.u32 s1, s0  }
0xc3: {  	s0 =	sadd.s32 $0x8F2B, s0  }
0xc4: {  	[sflag:s0] =	ssyncadd.remote.s32 $0x1  }
0xc5: {  	_ =	sfence.sel $0xFFFF  }
0xc6: {  	[dreg:$0x0] =	wrdreg $0xFFFFFFFF;
	(pc) =	sbr.abs _section_cstart, $3  }
0xc7: {  	[dreg:$0x1] =	wrdreg $0xFFFFFFFF  }
0xc8: {  	_ =	task.clear_ibuf [dreg:s8], $0x2FFFF;
	_ =	strace $0x9FFFFFFF  }
0xc9: {  	(tm) =	ssettm $0x7FFFFFFF  }
tec
execute0_lowered:
.L_overlay_start_1:
0x0: {  	(tag) =	ssettag $0x1  }
0x1: {  	s1 =	rddreg [dreg:$0x0]  }
0x2: {  	s2 =	srdreg.scid;
	s3 =	rddreg [dreg:$0x1]  }
0x3: {  	s0 =	stileid.u32;
	s5 =	rddreg [dreg:$0x2];
	s19 =	simm.s32 $0x900  }
0x4: {  	s20 =	simm.s32 $0x1100;
	s21 =	simm.s32 $0x1900;
	s23 =	simm.s32 $0x2100  }
0x5: {  	s24 =	simm.s32 $0x2900;
	s25 =	simm.s32 $0x3100;
	s26 =	simm.s32 $0x3900  }
0x6: {  	s8 =	simm.s32 $0x4900;
	s9 =	simm.s32 $0x5100;
	s10 =	simm.s32 $0x5900  }
0x7: {  	s11 =	simm.s32 $0x6100;
	s4 =	sand.u32 $0x1, s2;
	s2 =	simm.s32 $0x0  }
0x8: {  	s12 =	simm.s32 $0x6900;
	s13 =	simm.s32 $0x7100;
	[smem:$0x7FF] =	sst s2  }
0x9: {  	s14 =	simm.s32 $0x7900;
	_ =	strace $0x80000047;
	[dreg:$0x6] =	wrdreg s19  }
0xa: {  	s15 =	simm.s32 $0x8100;
	s16 =	simm.s32 $0x8900;
	[dreg:$0x7] =	wrdreg s20  }
0xb: {  	s17 =	simm.s32 $0x9100;
	s28 =	simm.s32 $0xE100;
	[dreg:$0x8] =	wrdreg s21  }
0xc: {  	s29 =	simm.s32 $0xE900;
	s30 =	simm.s32 $0xF100;
	[dreg:$0x9] =	wrdreg s23  }
0xd: {  	s31 =	simm.s32 $0xF900;
	s6 =	sshll.u32 s0, $0x9;
	[dreg:$0xa] =	wrdreg s24  }
0xe: {  	s7 =	sshll.u32 s4, $0x8;
	s4 =	ssub.s32 $0x2, s4;
	[dreg:$0xb] =	wrdreg s25  }
0xf: {  	s6 =	sor.u32 s7, s6;
	s22 =	sshrl.u32 s4, $0x1;
	[dreg:$0xc] =	wrdreg s26  }
0x10: {  	s19 =	simm.s32 $0xA100;
	s20 =	simm.s32 $0xA900;
	s21 =	simm.s32 $0xB100  }
0x11: {  	s23 =	simm.s32 $0xC100;
	s24 =	simm.s32 $0xC900;
	s25 =	simm.s32 $0xD100  }
0x12: {  	s26 =	simm.s32 $0xD900;
	s7 =	sshrl.u32 s6, $0x3;
	s6 =	sshll.u32 s6, $0x5  }
0x13: {  	s4 =	ssub.s32 s4, s22;
	s22 =	simm.s32 $0xB900;
	s3 =	sadd.s32 s3, s7  }
0x14: {  	v2 =	vlaneseq.u32;
	s18 =	sadd.s32 s5, s6;
	s4 =	smax.u32 s4, $0x1;
	[dreg:$0x4] =	wrdreg s3  }
0x15: {  	vm0 =	vmmov $0xffff;
	v1 =	vshrl.u32 v2, $0x3;
	s5 =	simm.s32 $0x2;
	s6 =	simm.s32 $0x100;
	[dreg:$0x5] =	wrdreg s18  }
0x16: {  	v0 =	vand.u32 $0x7, v2;
	v2 =	vor.u32 $0x8, v2;
	v1 =	vmul.u32 $0x8, v1;
	s3 =	sadd.s32 $0x200, s1;
	s18 =	simm.s32 $0x9900;
	s1 =	simm.s32 $0x1  }
.LBB2_1:
0x17: {  	s0 =	rddreg [dreg:$0x4]  }
0x18: {  	[tilespmem:s2], [sflag:$0x2] =	stream.linear.gather [hbm4b:s0+s2], $0x100, $0x38;
	[tilespmem:$0x10100] =	vst v63  }
0x19: {  	_ =	swait.ge [sflag:s5], $0x100  }
0x1a: {  	[sflag:s5] =	ssyncset.done $0x0  }
0x1b: {  	[sflag:s5] =	ssyncadd.s32 $0xFFFFFF00  }
0x1c: {  	v3 =	vld [tilespmem:$0x0];
	_ =	sdelay $0x4  }
0x1d: {  	v4 =	vshll.u32 v3, $0x1  }
0x1e: {  	v3 =	vand.u32 $0x7, v3;
	v4 =	vand.u32 $0xFFFFFFF0, v4  }
0x1f: {  	v3 =	vor.u32 v3, v4  }
0x20: {  	v4 =	vperm.xlane v3, v0;
	_ =	sdelay $0x1  }
0x21: {  	v3 =	vperm.xlane v3, v2;
	v4 =	vadd.s32 v1, v4;
	_ =	sdelay $0x1  }
0x22: {  	v3 =	vadd.s32 v1, v3;
	_ =	sdelay $0x2  }
0x23: {  	[tilespmem:s6], [sflag:$0x1] =	stream.indirect_vreg.gather [hbm4b:s3+s2], $0x80, v4, vm0, $0xb8;
	[tilespmem:$0x10100] =	vst v63  }
0x24: {  	s7 =	rddreg [dreg:$0x6]  }
0x25: {  	[tilespmem:s7], [sflag:$0x1] =	stream.indirect_vreg.gather [hbm4b:s3+s2], $0x80, v3, vm0, $0xb8;
	[tilespmem:$0x10100] =	vst v63  }
0x26: {  	v3 =	vld [tilespmem:$0x10];
	_ =	sdelay $0x4  }
0x27: {  	v49 =	vshll.u32 v3, $0x1  }
0x28: {  	v3 =	vand.u32 $0x7, v3;
	v4 =	vand.u32 $0xFFFFFFF0, v49  }
0x29: {  	v3 =	vor.u32 v3, v4  }
0x2a: {  	v4 =	vperm.xlane v3, v0;
	_ =	sdelay $0x1  }
0x2b: {  	v3 =	vperm.xlane v3, v2;
	v4 =	vadd.s32 v1, v4;
	_ =	sdelay $0x1  }
0x2c: {  	v3 =	vadd.s32 v1, v3;
	_ =	sdelay $0x1  }
0x2d: {  	s0 =	rddreg [dreg:$0x7]  }
0x2e: {  	[tilespmem:s0], [sflag:$0x1] =	stream.indirect_vreg.gather [hbm4b:s3+s2], $0x80, v4, vm0, $0xb8;
	[tilespmem:$0x10100] =	vst v63  }
0x2f: {  	s7 =	rddreg [dreg:$0x8]  }
0x30: {  	[tilespmem:s7], [sflag:$0x1] =	stream.indirect_vreg.gather [hbm4b:s3+s2], $0x80, v3, vm0, $0xb8;
	[tilespmem:$0x10100] =	vst v63  }
0x31: {  	v3 =	vld [tilespmem:$0x20];
	_ =	sdelay $0x4  }
0x32: {  	v50 =	vshll.u32 v3, $0x1  }
0x33: {  	v3 =	vand.u32 $0x7, v3;
	v4 =	vand.u32 $0xFFFFFFF0, v50  }
0x34: {  	v3 =	vor.u32 v3, v4  }
0x35: {  	v4 =	vperm.xlane v3, v0;
	_ =	sdelay $0x1  }
0x36: {  	v3 =	vperm.xlane v3, v2;
	v4 =	vadd.s32 v1, v4;
	_ =	sdelay $0x1  }
0x37: {  	v3 =	vadd.s32 v1, v3;
	_ =	sdelay $0x1  }
0x38: {  	s0 =	rddreg [dreg:$0x9]  }
0x39: {  	[tilespmem:s0], [sflag:$0x1] =	stream.indirect_vreg.gather [hbm4b:s3+s2], $0x80, v4, vm0, $0xb8;
	[tilespmem:$0x10100] =	vst v63  }
0x3a: {  	s7 =	rddreg [dreg:$0xa]  }
0x3b: {  	[tilespmem:s7], [sflag:$0x1] =	stream.indirect_vreg.gather [hbm4b:s3+s2], $0x80, v3, vm0, $0xb8;
	[tilespmem:$0x10100] =	vst v63  }
0x3c: {  	v3 =	vld [tilespmem:$0x30];
	_ =	sdelay $0x4  }
0x3d: {  	v51 =	vshll.u32 v3, $0x1  }
0x3e: {  	v3 =	vand.u32 $0x7, v3;
	v4 =	vand.u32 $0xFFFFFFF0, v51  }
0x3f: {  	v3 =	vor.u32 v3, v4  }
0x40: {  	v4 =	vperm.xlane v3, v0;
	_ =	sdelay $0x1  }
0x41: {  	v3 =	vperm.xlane v3, v2;
	v4 =	vadd.s32 v1, v4;
	_ =	sdelay $0x1  }
0x42: {  	v3 =	vadd.s32 v1, v3;
	_ =	sdelay $0x1  }
0x43: {  	s0 =	rddreg [dreg:$0xb]  }
0x44: {  	[tilespmem:s0], [sflag:$0x1] =	stream.indirect_vreg.gather [hbm4b:s3+s2], $0x80, v4, vm0, $0xb8;
	[tilespmem:$0x10100] =	vst v63  }
0x45: {  	s7 =	rddreg [dreg:$0xc]  }
0x46: {  	[tilespmem:s7], [sflag:$0x1] =	stream.indirect_vreg.gather [hbm4b:s3+s2], $0x80, v3, vm0, $0xb8;
	[tilespmem:$0x10100] =	vst v63  }
0x47: {  	v3 =	vld [tilespmem:$0x40];
	_ =	sdelay $0x4  }
0x48: {  	v52 =	vshll.u32 v3, $0x1  }
0x49: {  	v3 =	vand.u32 $0x7, v3;
	v4 =	vand.u32 $0xFFFFFFF0, v52  }
0x4a: {  	v3 =	vor.u32 v3, v4  }
0x4b: {  	v4 =	vperm.xlane v3, v0;
	_ =	sdelay $0x1  }
0x4c: {  	v3 =	vperm.xlane v3, v2;
	v4 =	vadd.s32 v1, v4;
	_ =	sdelay $0x1  }
0x4d: {  	v3 =	vadd.s32 v1, v3;
	_ =	sdelay $0x1  }
0x4e: {  	s7 =	simm.s32 $0x4100  }
0x4f: {  	[tilespmem:s7], [sflag:$0x1] =	stream.indirect_vreg.gather [hbm4b:s3+s2], $0x80, v4, vm0, $0xb8;
	[tilespmem:$0x10100] =	vst v63  }
0x50: {  	_ = 	snop  }
0x51: {  	[tilespmem:s8], [sflag:$0x1] =	stream.indirect_vreg.gather [hbm4b:s3+s2], $0x80, v3, vm0, $0xb8;
	[tilespmem:$0x10100] =	vst v63  }
0x52: {  	v3 =	vld [tilespmem:$0x50];
	_ =	sdelay $0x4  }
0x53: {  	v53 =	vshll.u32 v3, $0x1  }
0x54: {  	v3 =	vand.u32 $0x7, v3;
	v4 =	vand.u32 $0xFFFFFFF0, v53  }
0x55: {  	v3 =	vor.u32 v3, v4  }
0x56: {  	v4 =	vperm.xlane v3, v0;
	_ =	sdelay $0x1  }
0x57: {  	v3 =	vperm.xlane v3, v2;
	v4 =	vadd.s32 v1, v4;
	_ =	sdelay $0x1  }
0x58: {  	v3 =	vadd.s32 v1, v3;
	_ =	sdelay $0x2  }
0x59: {  	[tilespmem:s9], [sflag:$0x1] =	stream.indirect_vreg.gather [hbm4b:s3+s2], $0x80, v4, vm0, $0xb8;
	[tilespmem:$0x10100] =	vst v63  }
0x5a: {  	_ = 	snop  }
0x5b: {  	[tilespmem:s10], [sflag:$0x1] =	stream.indirect_vreg.gather [hbm4b:s3+s2], $0x80, v3, vm0, $0xb8;
	[tilespmem:$0x10100] =	vst v63  }
0x5c: {  	v3 =	vld [tilespmem:$0x60];
	_ =	sdelay $0x4  }
0x5d: {  	v54 =	vshll.u32 v3, $0x1  }
0x5e: {  	v3 =	vand.u32 $0x7, v3;
	v4 =	vand.u32 $0xFFFFFFF0, v54  }
0x5f: {  	v3 =	vor.u32 v3, v4  }
0x60: {  	v4 =	vperm.xlane v3, v0;
	_ =	sdelay $0x1  }
0x61: {  	v3 =	vperm.xlane v3, v2;
	v4 =	vadd.s32 v1, v4;
	_ =	sdelay $0x1  }
0x62: {  	v3 =	vadd.s32 v1, v3;
	_ =	sdelay $0x2  }
0x63: {  	[tilespmem:s11], [sflag:$0x1] =	stream.indirect_vreg.gather [hbm4b:s3+s2], $0x80, v4, vm0, $0xb8;
	[tilespmem:$0x10100] =	vst v63  }
0x64: {  	_ = 	snop  }
0x65: {  	[tilespmem:s12], [sflag:$0x1] =	stream.indirect_vreg.gather [hbm4b:s3+s2], $0x80, v3, vm0, $0xb8;
	[tilespmem:$0x10100] =	vst v63  }
0x66: {  	v3 =	vld [tilespmem:$0x70];
	_ =	sdelay $0x4  }
0x67: {  	v55 =	vshll.u32 v3, $0x1  }
0x68: {  	v3 =	vand.u32 $0x7, v3;
	v4 =	vand.u32 $0xFFFFFFF0, v55  }
0x69: {  	v3 =	vor.u32 v3, v4  }
0x6a: {  	v4 =	vperm.xlane v3, v0;
	_ =	sdelay $0x1  }
0x6b: {  	v3 =	vperm.xlane v3, v2;
	v4 =	vadd.s32 v1, v4;
	_ =	sdelay $0x1  }
0x6c: {  	v3 =	vadd.s32 v1, v3;
	_ =	sdelay $0x2  }
0x6d: {  	[tilespmem:s13], [sflag:$0x1] =	stream.indirect_vreg.gather [hbm4b:s3+s2], $0x80, v4, vm0, $0xb8;
	[tilespmem:$0x10100] =	vst v63  }
0x6e: {  	_ = 	snop  }
0x6f: {  	[tilespmem:s14], [sflag:$0x1] =	stream.indirect_vreg.gather [hbm4b:s3+s2], $0x80, v3, vm0, $0xb8;
	[tilespmem:$0x10100] =	vst v63  }
0x70: {  	v3 =	vld [tilespmem:$0x80];
	_ =	sdelay $0x4  }
0x71: {  	v56 =	vshll.u32 v3, $0x1  }
0x72: {  	v3 =	vand.u32 $0x7, v3;
	v4 =	vand.u32 $0xFFFFFFF0, v56  }
0x73: {  	v3 =	vor.u32 v3, v4  }
0x74: {  	v4 =	vperm.xlane v3, v0;
	_ =	sdelay $0x1  }
0x75: {  	v3 =	vperm.xlane v3, v2;
	v4 =	vadd.s32 v1, v4;
	_ =	sdelay $0x1  }
0x76: {  	v3 =	vadd.s32 v1, v3;
	_ =	sdelay $0x2  }
0x77: {  	[tilespmem:s15], [sflag:$0x1] =	stream.indirect_vreg.gather [hbm4b:s3+s2], $0x80, v4, vm0, $0xb8;
	[tilespmem:$0x10100] =	vst v63  }
0x78: {  	_ = 	snop  }
0x79: {  	[tilespmem:s16], [sflag:$0x1] =	stream.indirect_vreg.gather [hbm4b:s3+s2], $0x80, v3, vm0, $0xb8;
	[tilespmem:$0x10100] =	vst v63  }
0x7a: {  	v3 =	vld [tilespmem:$0x90];
	_ =	sdelay $0x4  }
0x7b: {  	v57 =	vshll.u32 v3, $0x1  }
0x7c: {  	v3 =	vand.u32 $0x7, v3;
	v4 =	vand.u32 $0xFFFFFFF0, v57  }
0x7d: {  	v3 =	vor.u32 v3, v4  }
0x7e: {  	v4 =	vperm.xlane v3, v0;
	_ =	sdelay $0x1  }
0x7f: {  	v3 =	vperm.xlane v3, v2;
	v4 =	vadd.s32 v1, v4;
	_ =	sdelay $0x1  }
0x80: {  	v3 =	vadd.s32 v1, v3;
	_ =	sdelay $0x2  }
0x81: {  	[tilespmem:s17], [sflag:$0x1] =	stream.indirect_vreg.gather [hbm4b:s3+s2], $0x80, v4, vm0, $0xb8;
	[tilespmem:$0x10100] =	vst v63  }
0x82: {  	_ = 	snop  }
0x83: {  	[tilespmem:s18], [sflag:$0x1] =	stream.indirect_vreg.gather [hbm4b:s3+s2], $0x80, v3, vm0, $0xb8;
	[tilespmem:$0x10100] =	vst v63  }
0x84: {  	v3 =	vld [tilespmem:$0xA0];
	_ =	sdelay $0x4  }
0x85: {  	v58 =	vshll.u32 v3, $0x1  }
0x86: {  	v3 =	vand.u32 $0x7, v3;
	v4 =	vand.u32 $0xFFFFFFF0, v58  }
0x87: {  	v3 =	vor.u32 v3, v4  }
0x88: {  	v4 =	vperm.xlane v3, v0;
	_ =	sdelay $0x1  }
0x89: {  	v3 =	vperm.xlane v3, v2;
	v4 =	vadd.s32 v1, v4;
	_ =	sdelay $0x1  }
0x8a: {  	v3 =	vadd.s32 v1, v3;
	_ =	sdelay $0x2  }
0x8b: {  	[tilespmem:s19], [sflag:$0x1] =	stream.indirect_vreg.gather [hbm4b:s3+s2], $0x80, v4, vm0, $0xb8;
	[tilespmem:$0x10100] =	vst v63  }
0x8c: {  	_ = 	snop  }
0x8d: {  	[tilespmem:s20], [sflag:$0x1] =	stream.indirect_vreg.gather [hbm4b:s3+s2], $0x80, v3, vm0, $0xb8;
	[tilespmem:$0x10100] =	vst v63  }
0x8e: {  	v3 =	vld [tilespmem:$0xB0];
	_ =	sdelay $0x4  }
0x8f: {  	v59 =	vshll.u32 v3, $0x1  }
0x90: {  	v3 =	vand.u32 $0x7, v3;
	v4 =	vand.u32 $0xFFFFFFF0, v59  }
0x91: {  	v3 =	vor.u32 v3, v4  }
0x92: {  	v4 =	vperm.xlane v3, v0;
	_ =	sdelay $0x1  }
0x93: {  	v3 =	vperm.xlane v3, v2;
	v4 =	vadd.s32 v1, v4;
	_ =	sdelay $0x1  }
0x94: {  	v3 =	vadd.s32 v1, v3;
	_ =	sdelay $0x2  }
0x95: {  	[tilespmem:s21], [sflag:$0x1] =	stream.indirect_vreg.gather [hbm4b:s3+s2], $0x80, v4, vm0, $0xb8;
	[tilespmem:$0x10100] =	vst v63  }
0x96: {  	_ = 	snop  }
0x97: {  	[tilespmem:s22], [sflag:$0x1] =	stream.indirect_vreg.gather [hbm4b:s3+s2], $0x80, v3, vm0, $0xb8;
	[tilespmem:$0x10100] =	vst v63  }
0x98: {  	v3 =	vld [tilespmem:$0xC0];
	_ =	sdelay $0x4  }
0x99: {  	v60 =	vshll.u32 v3, $0x1  }
0x9a: {  	v3 =	vand.u32 $0x7, v3;
	v4 =	vand.u32 $0xFFFFFFF0, v60  }
0x9b: {  	v3 =	vor.u32 v3, v4  }
0x9c: {  	v4 =	vperm.xlane v3, v0;
	_ =	sdelay $0x1  }
0x9d: {  	v3 =	vperm.xlane v3, v2;
	v4 =	vadd.s32 v1, v4;
	_ =	sdelay $0x1  }
0x9e: {  	v3 =	vadd.s32 v1, v3;
	_ =	sdelay $0x2  }
0x9f: {  	[tilespmem:s23], [sflag:$0x1] =	stream.indirect_vreg.gather [hbm4b:s3+s2], $0x80, v4, vm0, $0xb8;
	[tilespmem:$0x10100] =	vst v63  }
0xa0: {  	_ = 	snop  }
0xa1: {  	[tilespmem:s24], [sflag:$0x1] =	stream.indirect_vreg.gather [hbm4b:s3+s2], $0x80, v3, vm0, $0xb8;
	[tilespmem:$0x10100] =	vst v63  }
0xa2: {  	v3 =	vld [tilespmem:$0xD0];
	_ =	sdelay $0x4  }
0xa3: {  	v61 =	vshll.u32 v3, $0x1  }
0xa4: {  	v3 =	vand.u32 $0x7, v3;
	v4 =	vand.u32 $0xFFFFFFF0, v61  }
0xa5: {  	v3 =	vor.u32 v3, v4  }
0xa6: {  	v4 =	vperm.xlane v3, v0;
	_ =	sdelay $0x1  }
0xa7: {  	v3 =	vperm.xlane v3, v2;
	v4 =	vadd.s32 v1, v4;
	_ =	sdelay $0x1  }
0xa8: {  	v3 =	vadd.s32 v1, v3;
	_ =	sdelay $0x2  }
0xa9: {  	[tilespmem:s25], [sflag:$0x1] =	stream.indirect_vreg.gather [hbm4b:s3+s2], $0x80, v4, vm0, $0xb8;
	[tilespmem:$0x10100] =	vst v63  }
0xaa: {  	_ = 	snop  }
0xab: {  	[tilespmem:s26], [sflag:$0x1] =	stream.indirect_vreg.gather [hbm4b:s3+s2], $0x80, v3, vm0, $0xb8;
	[tilespmem:$0x10100] =	vst v63  }
0xac: {  	v3 =	vld [tilespmem:$0xE0];
	_ =	sdelay $0x4  }
0xad: {  	v62 =	vshll.u32 v3, $0x1  }
0xae: {  	v3 =	vand.u32 $0x7, v3;
	v4 =	vand.u32 $0xFFFFFFF0, v62  }
0xaf: {  	v3 =	vor.u32 v3, v4  }
0xb0: {  	v4 =	vperm.xlane v3, v0;
	_ =	sdelay $0x1  }
0xb1: {  	v3 =	vperm.xlane v3, v2;
	v4 =	vadd.s32 v1, v4;
	_ =	sdelay $0x1  }
0xb2: {  	v3 =	vadd.s32 v1, v3;
	_ =	sdelay $0x2  }
0xb3: {  	[tilespmem:s28], [sflag:$0x1] =	stream.indirect_vreg.gather [hbm4b:s3+s2], $0x80, v4, vm0, $0xb8;
	[tilespmem:$0x10100] =	vst v63  }
0xb4: {  	_ = 	snop  }
0xb5: {  	[tilespmem:s29], [sflag:$0x1] =	stream.indirect_vreg.gather [hbm4b:s3+s2], $0x80, v3, vm0, $0xb8;
	[tilespmem:$0x10100] =	vst v63  }
0xb6: {  	v3 =	vld [tilespmem:$0xF0];
	_ =	sdelay $0x4  }
0xb7: {  	v63 =	vshll.u32 v3, $0x1  }
0xb8: {  	v3 =	vand.u32 $0x7, v3;
	v4 =	vand.u32 $0xFFFFFFF0, v63  }
0xb9: {  	v3 =	vor.u32 v3, v4  }
0xba: {  	v4 =	vperm.xlane v3, v0;
	_ =	sdelay $0x1  }
0xbb: {  	v3 =	vperm.xlane v3, v2;
	v4 =	vadd.s32 v1, v4;
	_ =	sdelay $0x1  }
0xbc: {  	v3 =	vadd.s32 v1, v3;
	_ =	sdelay $0x2  }
0xbd: {  	[tilespmem:s30], [sflag:$0x1] =	stream.indirect_vreg.gather [hbm4b:s3+s2], $0x80, v4, vm0, $0xb8;
	[tilespmem:$0x10100] =	vst v63  }
0xbe: {  	_ = 	snop  }
0xbf: {  	[tilespmem:s31], [sflag:$0x1] =	stream.indirect_vreg.gather [hbm4b:s3+s2], $0x80, v3, vm0, $0xb8;
	[tilespmem:$0x10100] =	vst v63  }
0xc0: {  	_ =	swait.ge [sflag:s1], $0x8000  }
0xc1: {  	[sflag:s1] =	ssyncset.done $0x0  }
0xc2: {  	[sflag:s1] =	ssyncadd.s32 $0xFFFF8000  }
0xc3: {  	_ =	swait.ge [sflag:s1], $0x8000  }
0xc4: {  	p0 =	sne.s32 s4, $0x1;
	[sflag:s1] =	ssyncset.done $0x0  }
.Ltmp0:
0xc5: {  	s7 =	rddreg [dreg:$0x5];
	[sflag:s1] =	ssyncadd.s32 $0xFFFF8000;
	(pc) =	sbr.rel @p0 .LBB2_1-.Ltmp0, $4  }
0xc6: {  	[hbm4b:s7+s2] =	stream.linear.scatter [tilespmem:s6], [sflag:$0x2], $0x10000, $0x38;
	[tilespmem:$0x10100] =	vst v63  }
0xc7: {  	_ =	swait.ge [sflag:s5], $0x10000  }
0xc8: {  	[sflag:s5] =	ssyncset.done $0x0  }
0xc9: {  	s4 =	sadd.s32 $0xFFFFFFFF, s4;
	[sflag:s5] =	ssyncadd.s32 $0xFFFF0000  }
0xca: {  	_ =	sfence.sel $0x180000  }
0xcb: {  	[bflag:$0x0] =	sbarrier.arrive $0xFFFF  }
0xcc: {  	_ =	strace $0x90000047  }
0xcd: {  	s0 =	stileid.u32;
	[bflag:$0x2] =	sbarrier.arrive $0xFFFF  }
0xce: {  	p0 =	sne.s32 s0, $0x0;
	s0 =	rddreg [dreg:$0x3]  }
0xcf: {  	s0 =	sadd.s32 @!p0 $0x100000, s0  }
0xd0: {  	[sflag:s0] =	ssyncadd.tile.s32 @!p0 $0x1;
	_ =	shalt  }
.Lfunc_end2:
_tile_overlayer_lowered:
.L_overlay_start_2:
0xd1: {  	(tag) =	ssettag $0x2  }
0xd2: {  	s0 =	rddreg [dreg:$0x0];
	s2 =	stileid.u32  }
0xd3: {  	s1 =	rddreg [dreg:$0x1];
	p0 =	sne.s32 s2, $0x0  }
0xd4: {  	s3 =	rddreg [dreg:$0x2];
	[bflag:$0x3] =	sbarrier.arrive $0xFFFF;
	s2 =	simm.s32 @!p0 $0x1C02  }
0xd5: {  	[timem:s3], [sflag:s2] =	dma.local @!p0 [hbm:s0], s1  }
0xd6: {  	s0 =	simm.s32 @!p0 $0x2  }
0xd7: {  	_ =	swait.ge @!p0 [sflag:s0], s1  }
0xd8: {  	s1 =	ssub.s32 @!p0 $0x0, s1;
	[sflag:s0] =	ssyncset.done @!p0 $0x0  }
0xd9: {  	[sflag:s0] =	ssyncadd.s32 @!p0 s1  }
0xda: {  	[bflag:$0x3] =	sbarrier.arrive $0xFFFF  }
0xdb: {  	_ =	shalt  }

</sc_bundles>
